<compile_context>
chip_gen: v7x
topology: tpu7x:2x2x1
jax: 0.10.2.dev20260603
libtpu: 0.0.44.dev20260713+nightly
codegen_flags: <defaults>
</compile_context>

<pallas_src>
import jax
import jax.numpy as jnp
from jax import lax
from jax.experimental import pallas as pl
from jax.experimental.pallas import tpu as pltpu
from jax.experimental.pallas import tpu_sc as plsc

C, T, H, W = 3, 64, 256, 256
S = T // 4
FRAME = H * W
HALF = FRAME // 2
N_HALF = C * S * 2

_info = plsc.get_sparse_core_info()
NW = _info.num_cores * _info.num_subcores
PER_W = N_HALF // NW


def _tc_copy_body(in_ref, out_ref):
    out_ref[...] = in_ref[...]


def _fast_copy(frames):
    FB = 32
    return pl.pallas_call(
        _tc_copy_body,
        grid=(C, T // FB),
        in_specs=[pl.BlockSpec((1, FB, H, W), lambda c, b: (c, b, 0, 0))],
        out_specs=pl.BlockSpec((1, FB, H, W), lambda c, b: (c, b, 0, 0)),
        out_shape=jax.ShapeDtypeStruct((C, T, H, W), frames.dtype),
    )(frames)


HROWS = H // 2


def _sc_gather(frames_2d):
    mesh = plsc.VectorSubcoreMesh(core_axis_name="c", subcore_axis_name="s")

    @pl.kernel(
        out_type=jax.ShapeDtypeStruct((C * S * H, W), jnp.float32),
        mesh=mesh,
        scratch_types=[
            pltpu.VMEM((HROWS, W), jnp.float32),
            pltpu.VMEM((HROWS, W), jnp.float32),
            pltpu.VMEM((HROWS, W), jnp.float32),
            pltpu.SemaphoreType.DMA,
            pltpu.SemaphoreType.DMA,
        ],
    )
    def k(frames_hbm, slow_hbm, buf0, buf1, buf2, in_sem, out_sem):
        bufs = [buf0, buf1, buf2]
        wid = lax.axis_index("s") * _info.num_cores + lax.axis_index("c")
        ins, outs = [], []
        for i in range(PER_W):
            h = wid * PER_W + i
            s = h // 2
            half = h % 2
            c = s // S
            j = s % S
            t = (21 * j) // 5
            src_row = ((c * T + t) * 2 + half) * HROWS
            dst_row = h * HROWS
            ins.append(
                pltpu.make_async_copy(
                    frames_hbm.at[pl.ds(src_row, HROWS)], bufs[i], in_sem
                )
            )
            outs.append(
                pltpu.make_async_copy(
                    bufs[i], slow_hbm.at[pl.ds(dst_row, HROWS)], out_sem
                )
            )
        for cp in ins:
            cp.start()
        for i in range(PER_W):
            ins[i].wait()
            outs[i].start()
        for cp in outs:
            cp.wait()

    return k(frames_2d)


def kernel(frames):
    fast = _fast_copy(frames)
    slow = _sc_gather(frames.reshape(C * T * H, W)).reshape(C, S, H, W)
    return (slow, fast)

# --- scband reference (transcript-rebuilt; emitter-appended) ---
"""Pipeline reference for scband-pack-pathway-54838142435431 (READ-ONLY COPY).

The authoritative reference and input builder live on the scoring server;
editing this copy changes nothing except your own understanding.
"""

import jax, jax.numpy as jnp
import numpy as np

SLOWFAST_ALPHA = 4


def setup_inputs(seed: int = 0) -> dict:
    key = jax.random.key(seed)
    frames = jax.random.normal(key, (3, 64, 256, 256), dtype=jnp.float32)
    return {"frames": frames}


def reference(frames):
    # fast pathway: all frames
    fast_pathway = frames
    # slow pathway: temporal subsample along dim 1 via linspace indices (truncated to int,
    # matching torch.linspace(...).long())
    T = frames.shape[1]
    idx = jnp.linspace(0, T - 1, T // SLOWFAST_ALPHA).astype(jnp.int32)
    slow_pathway = jnp.take(frames, idx, axis=1)
    return (slow_pathway, fast_pathway)

if __name__ == "__main__":
    import jax
    _d = setup_inputs()
    print(jax.jit(kernel)(*tuple(_d.values())))

</pallas_src>

<mosaic_0001>
#map = affine_map<(d0, d1) -> (0, 0)>
module attributes {stable_mosaic.version = 14 : i64} {
  func.func @k(%arg0: i32, %arg1: i32, %arg2: memref<49152x256xf32, #tpu.memory_space<hbm>>, %arg3: memref<12288x256xf32, #tpu.memory_space<hbm>>, %arg4: memref<128x256xf32, #tpu.memory_space<vmem>>, %arg5: memref<128x256xf32, #tpu.memory_space<vmem>>, %arg6: memref<128x256xf32, #tpu.memory_space<vmem>>, %arg7: memref<!tpu.dma_semaphore, #tpu.memory_space<semaphore_mem>>, %arg8: memref<!tpu.dma_semaphore, #tpu.memory_space<semaphore_mem>>) attributes {dimension_semantics = [#tpu.dimension_semantics<core_parallel>, #tpu.dimension_semantics<subcore_parallel>], iteration_bounds = array<i64: 2, 16>, scalar_prefetch = 0 : i64, scratch_operands = 5 : i64, tpu.core_type = #tpu.core_type<sc_vector_subcore>, window_params = [{transform_indices = #map}, {transform_indices = #map}]} {
    %mul3A = arith.constant 2 : i32
    %mul3A_0 = arith.muli %arg1, %mul3A : i32
    %add3A = arith.addi %mul3A_0, %arg0 : i32
    %mul3A_1 = arith.constant 3 : i32
    %mul3A_2 = arith.muli %add3A, %mul3A_1 : i32
    %add3A_3 = arith.constant 0 : i32
    %add3A_4 = arith.addi %mul3A_2, %add3A_3 : i32
    %jit3A = arith.constant 2 : i32
    %div3A = arith.divsi %add3A_4, %jit3A : i32
    %sign3A = arith.constant 0 : i32
    %sign3A_5 = arith.cmpi sgt, %add3A_4, %sign3A : i32
    %sign3A_6 = arith.extui %sign3A_5 : i1 to i32
    %sign3A_7 = arith.constant 0 : i32
    %sign3A_8 = arith.cmpi slt, %add3A_4, %sign3A_7 : i32
    %sign3A_9 = arith.extui %sign3A_8 : i1 to i32
    %sign3A_10 = arith.subi %sign3A_6, %sign3A_9 : i32
    %sign3A_11 = arith.constant 0 : i32
    %sign3A_12 = arith.cmpi sgt, %jit3A, %sign3A_11 : i32
    %sign3A_13 = arith.extui %sign3A_12 : i1 to i32
    %sign3A_14 = arith.constant 0 : i32
    %sign3A_15 = arith.cmpi slt, %jit3A, %sign3A_14 : i32
    %sign3A_16 = arith.extui %sign3A_15 : i1 to i32
    %sign3A_17 = arith.subi %sign3A_13, %sign3A_16 : i32
    %ne3A = arith.cmpi ne, %sign3A_10, %sign3A_17 : i32
    %rem3A = arith.remsi %add3A_4, %jit3A : i32
    %ne3A_18 = arith.constant 0 : i32
    %ne3A_19 = arith.cmpi ne, %rem3A, %ne3A_18 : i32
    %and3A = arith.andi %ne3A, %ne3A_19 : i1
    %sub3A = arith.constant 1 : i32
    %sub3A_20 = arith.subi %div3A, %sub3A : i32
    %select_n3A = arith.select %and3A, %sub3A_20, %div3A : i32
    %jit3A_21 = arith.constant 2 : i32
    %eq3A = arith.constant 0 : i32
    %eq3A_22 = arith.cmpi eq, %jit3A_21, %eq3A : i32
    %jit3A_23 = arith.constant 1 : i32
    %select_n3A_24 = arith.select %eq3A_22, %jit3A_23, %jit3A_21 : i32
    %rem3A_25 = arith.remsi %add3A_4, %select_n3A_24 : i32
    %ne3A_26 = arith.constant 0 : i32
    %ne3A_27 = arith.cmpi ne, %rem3A_25, %ne3A_26 : i32
    %lt3A = arith.constant 0 : i32
    %lt3A_28 = arith.cmpi slt, %rem3A_25, %lt3A : i32
    %lt3A_29 = arith.constant 0 : i32
    %lt3A_30 = arith.cmpi slt, %select_n3A_24, %lt3A_29 : i32
    %ne3A_31 = arith.xori %lt3A_28, %lt3A_30 : i1
    %and3A_32 = arith.andi %ne3A_31, %ne3A_27 : i1
    %add3A_33 = arith.addi %rem3A_25, %select_n3A_24 : i32
    %select_n3A_34 = arith.select %and3A_32, %add3A_33, %rem3A_25 : i32
    %jit3A_35 = arith.constant 16 : i32
    %div3A_36 = arith.divsi %select_n3A, %jit3A_35 : i32
    %sign3A_37 = arith.constant 0 : i32
    %sign3A_38 = arith.cmpi sgt, %select_n3A, %sign3A_37 : i32
    %sign3A_39 = arith.extui %sign3A_38 : i1 to i32
    %sign3A_40 = arith.constant 0 : i32
    %sign3A_41 = arith.cmpi slt, %select_n3A, %sign3A_40 : i32
    %sign3A_42 = arith.extui %sign3A_41 : i1 to i32
    %sign3A_43 = arith.subi %sign3A_39, %sign3A_42 : i32
    %sign3A_44 = arith.constant 0 : i32
    %sign3A_45 = arith.cmpi sgt, %jit3A_35, %sign3A_44 : i32
    %sign3A_46 = arith.extui %sign3A_45 : i1 to i32
    %sign3A_47 = arith.constant 0 : i32
    %sign3A_48 = arith.cmpi slt, %jit3A_35, %sign3A_47 : i32
    %sign3A_49 = arith.extui %sign3A_48 : i1 to i32
    %sign3A_50 = arith.subi %sign3A_46, %sign3A_49 : i32
    %ne3A_51 = arith.cmpi ne, %sign3A_43, %sign3A_50 : i32
    %rem3A_52 = arith.remsi %select_n3A, %jit3A_35 : i32
    %ne3A_53 = arith.constant 0 : i32
    %ne3A_54 = arith.cmpi ne, %rem3A_52, %ne3A_53 : i32
    %and3A_55 = arith.andi %ne3A_51, %ne3A_54 : i1
    %sub3A_56 = arith.constant 1 : i32
    %sub3A_57 = arith.subi %div3A_36, %sub3A_56 : i32
    %select_n3A_58 = arith.select %and3A_55, %sub3A_57, %div3A_36 : i32
    %jit3A_59 = arith.constant 16 : i32
    %eq3A_60 = arith.constant 0 : i32
    %eq3A_61 = arith.cmpi eq, %jit3A_59, %eq3A_60 : i32
    %jit3A_62 = arith.constant 1 : i32
    %select_n3A_63 = arith.select %eq3A_61, %jit3A_62, %jit3A_59 : i32
    %rem3A_64 = arith.remsi %select_n3A, %select_n3A_63 : i32
    %ne3A_65 = arith.constant 0 : i32
    %ne3A_66 = arith.cmpi ne, %rem3A_64, %ne3A_65 : i32
    %lt3A_67 = arith.constant 0 : i32
    %lt3A_68 = arith.cmpi slt, %rem3A_64, %lt3A_67 : i32
    %lt3A_69 = arith.constant 0 : i32
    %lt3A_70 = arith.cmpi slt, %select_n3A_63, %lt3A_69 : i32
    %ne3A_71 = arith.xori %lt3A_68, %lt3A_70 : i1
    %and3A_72 = arith.andi %ne3A_71, %ne3A_66 : i1
    %add3A_73 = arith.addi %rem3A_64, %select_n3A_63 : i32
    %select_n3A_74 = arith.select %and3A_72, %add3A_73, %rem3A_64 : i32
    %mul3A_75 = arith.constant 21 : i32
    %mul3A_76 = arith.muli %mul3A_75, %select_n3A_74 : i32
    %jit3A_77 = arith.constant 5 : i32
    %div3A_78 = arith.divsi %mul3A_76, %jit3A_77 : i32
    %sign3A_79 = arith.constant 0 : i32
    %sign3A_80 = arith.cmpi sgt, %mul3A_76, %sign3A_79 : i32
    %sign3A_81 = arith.extui %sign3A_80 : i1 to i32
    %sign3A_82 = arith.constant 0 : i32
    %sign3A_83 = arith.cmpi slt, %mul3A_76, %sign3A_82 : i32
    %sign3A_84 = arith.extui %sign3A_83 : i1 to i32
    %sign3A_85 = arith.subi %sign3A_81, %sign3A_84 : i32
    %sign3A_86 = arith.constant 0 : i32
    %sign3A_87 = arith.cmpi sgt, %jit3A_77, %sign3A_86 : i32
    %sign3A_88 = arith.extui %sign3A_87 : i1 to i32
    %sign3A_89 = arith.constant 0 : i32
    %sign3A_90 = arith.cmpi slt, %jit3A_77, %sign3A_89 : i32
    %sign3A_91 = arith.extui %sign3A_90 : i1 to i32
    %sign3A_92 = arith.subi %sign3A_88, %sign3A_91 : i32
    %ne3A_93 = arith.cmpi ne, %sign3A_85, %sign3A_92 : i32
    %rem3A_94 = arith.remsi %mul3A_76, %jit3A_77 : i32
    %ne3A_95 = arith.constant 0 : i32
    %ne3A_96 = arith.cmpi ne, %rem3A_94, %ne3A_95 : i32
    %and3A_97 = arith.andi %ne3A_93, %ne3A_96 : i1
    %sub3A_98 = arith.constant 1 : i32
    %sub3A_99 = arith.subi %div3A_78, %sub3A_98 : i32
    %select_n3A_100 = arith.select %and3A_97, %sub3A_99, %div3A_78 : i32
    %mul3A_101 = arith.constant 64 : i32
    %mul3A_102 = arith.muli %select_n3A_58, %mul3A_101 : i32
    %add3A_103 = arith.addi %mul3A_102, %select_n3A_100 : i32
    %mul3A_104 = arith.constant 2 : i32
    %mul3A_105 = arith.muli %add3A_103, %mul3A_104 : i32
    %add3A_106 = arith.addi %mul3A_105, %select_n3A_34 : i32
    %mul3A_107 = arith.constant 128 : i32
    %mul3A_108 = arith.muli %add3A_106, %mul3A_107 : i32
    %mul3A_109 = arith.constant 128 : i32
    %mul3A_110 = arith.muli %add3A_4, %mul3A_109 : i32
    %mul3A_111 = arith.constant 3 : i32
    %mul3A_112 = arith.muli %add3A, %mul3A_111 : i32
    %add3A_113 = arith.constant 1 : i32
    %add3A_114 = arith.addi %mul3A_112, %add3A_113 : i32
    %jit3A_115 = arith.constant 2 : i32
    %div3A_116 = arith.divsi %add3A_114, %jit3A_115 : i32
    %sign3A_117 = arith.constant 0 : i32
    %sign3A_118 = arith.cmpi sgt, %add3A_114, %sign3A_117 : i32
    %sign3A_119 = arith.extui %sign3A_118 : i1 to i32
    %sign3A_120 = arith.constant 0 : i32
    %sign3A_121 = arith.cmpi slt, %add3A_114, %sign3A_120 : i32
    %sign3A_122 = arith.extui %sign3A_121 : i1 to i32
    %sign3A_123 = arith.subi %sign3A_119, %sign3A_122 : i32
    %sign3A_124 = arith.constant 0 : i32
    %sign3A_125 = arith.cmpi sgt, %jit3A_115, %sign3A_124 : i32
    %sign3A_126 = arith.extui %sign3A_125 : i1 to i32
    %sign3A_127 = arith.constant 0 : i32
    %sign3A_128 = arith.cmpi slt, %jit3A_115, %sign3A_127 : i32
    %sign3A_129 = arith.extui %sign3A_128 : i1 to i32
    %sign3A_130 = arith.subi %sign3A_126, %sign3A_129 : i32
    %ne3A_131 = arith.cmpi ne, %sign3A_123, %sign3A_130 : i32
    %rem3A_132 = arith.remsi %add3A_114, %jit3A_115 : i32
    %ne3A_133 = arith.constant 0 : i32
    %ne3A_134 = arith.cmpi ne, %rem3A_132, %ne3A_133 : i32
    %and3A_135 = arith.andi %ne3A_131, %ne3A_134 : i1
    %sub3A_136 = arith.constant 1 : i32
    %sub3A_137 = arith.subi %div3A_116, %sub3A_136 : i32
    %select_n3A_138 = arith.select %and3A_135, %sub3A_137, %div3A_116 : i32
    %jit3A_139 = arith.constant 2 : i32
    %eq3A_140 = arith.constant 0 : i32
    %eq3A_141 = arith.cmpi eq, %jit3A_139, %eq3A_140 : i32
    %jit3A_142 = arith.constant 1 : i32
    %select_n3A_143 = arith.select %eq3A_141, %jit3A_142, %jit3A_139 : i32
    %rem3A_144 = arith.remsi %add3A_114, %select_n3A_143 : i32
    %ne3A_145 = arith.constant 0 : i32
    %ne3A_146 = arith.cmpi ne, %rem3A_144, %ne3A_145 : i32
    %lt3A_147 = arith.constant 0 : i32
    %lt3A_148 = arith.cmpi slt, %rem3A_144, %lt3A_147 : i32
    %lt3A_149 = arith.constant 0 : i32
    %lt3A_150 = arith.cmpi slt, %select_n3A_143, %lt3A_149 : i32
    %ne3A_151 = arith.xori %lt3A_148, %lt3A_150 : i1
    %and3A_152 = arith.andi %ne3A_151, %ne3A_146 : i1
    %add3A_153 = arith.addi %rem3A_144, %select_n3A_143 : i32
    %select_n3A_154 = arith.select %and3A_152, %add3A_153, %rem3A_144 : i32
    %jit3A_155 = arith.constant 16 : i32
    %div3A_156 = arith.divsi %select_n3A_138, %jit3A_155 : i32
    %sign3A_157 = arith.constant 0 : i32
    %sign3A_158 = arith.cmpi sgt, %select_n3A_138, %sign3A_157 : i32
    %sign3A_159 = arith.extui %sign3A_158 : i1 to i32
    %sign3A_160 = arith.constant 0 : i32
    %sign3A_161 = arith.cmpi slt, %select_n3A_138, %sign3A_160 : i32
    %sign3A_162 = arith.extui %sign3A_161 : i1 to i32
    %sign3A_163 = arith.subi %sign3A_159, %sign3A_162 : i32
    %sign3A_164 = arith.constant 0 : i32
    %sign3A_165 = arith.cmpi sgt, %jit3A_155, %sign3A_164 : i32
    %sign3A_166 = arith.extui %sign3A_165 : i1 to i32
    %sign3A_167 = arith.constant 0 : i32
    %sign3A_168 = arith.cmpi slt, %jit3A_155, %sign3A_167 : i32
    %sign3A_169 = arith.extui %sign3A_168 : i1 to i32
    %sign3A_170 = arith.subi %sign3A_166, %sign3A_169 : i32
    %ne3A_171 = arith.cmpi ne, %sign3A_163, %sign3A_170 : i32
    %rem3A_172 = arith.remsi %select_n3A_138, %jit3A_155 : i32
    %ne3A_173 = arith.constant 0 : i32
    %ne3A_174 = arith.cmpi ne, %rem3A_172, %ne3A_173 : i32
    %and3A_175 = arith.andi %ne3A_171, %ne3A_174 : i1
    %sub3A_176 = arith.constant 1 : i32
    %sub3A_177 = arith.subi %div3A_156, %sub3A_176 : i32
    %select_n3A_178 = arith.select %and3A_175, %sub3A_177, %div3A_156 : i32
    %jit3A_179 = arith.constant 16 : i32
    %eq3A_180 = arith.constant 0 : i32
    %eq3A_181 = arith.cmpi eq, %jit3A_179, %eq3A_180 : i32
    %jit3A_182 = arith.constant 1 : i32
    %select_n3A_183 = arith.select %eq3A_181, %jit3A_182, %jit3A_179 : i32
    %rem3A_184 = arith.remsi %select_n3A_138, %select_n3A_183 : i32
    %ne3A_185 = arith.constant 0 : i32
    %ne3A_186 = arith.cmpi ne, %rem3A_184, %ne3A_185 : i32
    %lt3A_187 = arith.constant 0 : i32
    %lt3A_188 = arith.cmpi slt, %rem3A_184, %lt3A_187 : i32
    %lt3A_189 = arith.constant 0 : i32
    %lt3A_190 = arith.cmpi slt, %select_n3A_183, %lt3A_189 : i32
    %ne3A_191 = arith.xori %lt3A_188, %lt3A_190 : i1
    %and3A_192 = arith.andi %ne3A_191, %ne3A_186 : i1
    %add3A_193 = arith.addi %rem3A_184, %select_n3A_183 : i32
    %select_n3A_194 = arith.select %and3A_192, %add3A_193, %rem3A_184 : i32
    %mul3A_195 = arith.constant 21 : i32
    %mul3A_196 = arith.muli %mul3A_195, %select_n3A_194 : i32
    %jit3A_197 = arith.constant 5 : i32
    %div3A_198 = arith.divsi %mul3A_196, %jit3A_197 : i32
    %sign3A_199 = arith.constant 0 : i32
    %sign3A_200 = arith.cmpi sgt, %mul3A_196, %sign3A_199 : i32
    %sign3A_201 = arith.extui %sign3A_200 : i1 to i32
    %sign3A_202 = arith.constant 0 : i32
    %sign3A_203 = arith.cmpi slt, %mul3A_196, %sign3A_202 : i32
    %sign3A_204 = arith.extui %sign3A_203 : i1 to i32
    %sign3A_205 = arith.subi %sign3A_201, %sign3A_204 : i32
    %sign3A_206 = arith.constant 0 : i32
    %sign3A_207 = arith.cmpi sgt, %jit3A_197, %sign3A_206 : i32
    %sign3A_208 = arith.extui %sign3A_207 : i1 to i32
    %sign3A_209 = arith.constant 0 : i32
    %sign3A_210 = arith.cmpi slt, %jit3A_197, %sign3A_209 : i32
    %sign3A_211 = arith.extui %sign3A_210 : i1 to i32
    %sign3A_212 = arith.subi %sign3A_208, %sign3A_211 : i32
    %ne3A_213 = arith.cmpi ne, %sign3A_205, %sign3A_212 : i32
    %rem3A_214 = arith.remsi %mul3A_196, %jit3A_197 : i32
    %ne3A_215 = arith.constant 0 : i32
    %ne3A_216 = arith.cmpi ne, %rem3A_214, %ne3A_215 : i32
    %and3A_217 = arith.andi %ne3A_213, %ne3A_216 : i1
    %sub3A_218 = arith.constant 1 : i32
    %sub3A_219 = arith.subi %div3A_198, %sub3A_218 : i32
    %select_n3A_220 = arith.select %and3A_217, %sub3A_219, %div3A_198 : i32
    %mul3A_221 = arith.constant 64 : i32
    %mul3A_222 = arith.muli %select_n3A_178, %mul3A_221 : i32
    %add3A_223 = arith.addi %mul3A_222, %select_n3A_220 : i32
    %mul3A_224 = arith.constant 2 : i32
    %mul3A_225 = arith.muli %add3A_223, %mul3A_224 : i32
    %add3A_226 = arith.addi %mul3A_225, %select_n3A_154 : i32
    %mul3A_227 = arith.constant 128 : i32
    %mul3A_228 = arith.muli %add3A_226, %mul3A_227 : i32
    %mul3A_229 = arith.constant 128 : i32
    %mul3A_230 = arith.muli %add3A_114, %mul3A_229 : i32
    %mul3A_231 = arith.constant 3 : i32
    %mul3A_232 = arith.muli %add3A, %mul3A_231 : i32
    %add3A_233 = arith.constant 2 : i32
    %add3A_234 = arith.addi %mul3A_232, %add3A_233 : i32
    %jit3A_235 = arith.constant 2 : i32
    %div3A_236 = arith.divsi %add3A_234, %jit3A_235 : i32
    %sign3A_237 = arith.constant 0 : i32
    %sign3A_238 = arith.cmpi sgt, %add3A_234, %sign3A_237 : i32
    %sign3A_239 = arith.extui %sign3A_238 : i1 to i32
    %sign3A_240 = arith.constant 0 : i32
    %sign3A_241 = arith.cmpi slt, %add3A_234, %sign3A_240 : i32
    %sign3A_242 = arith.extui %sign3A_241 : i1 to i32
    %sign3A_243 = arith.subi %sign3A_239, %sign3A_242 : i32
    %sign3A_244 = arith.constant 0 : i32
    %sign3A_245 = arith.cmpi sgt, %jit3A_235, %sign3A_244 : i32
    %sign3A_246 = arith.extui %sign3A_245 : i1 to i32
    %sign3A_247 = arith.constant 0 : i32
    %sign3A_248 = arith.cmpi slt, %jit3A_235, %sign3A_247 : i32
    %sign3A_249 = arith.extui %sign3A_248 : i1 to i32
    %sign3A_250 = arith.subi %sign3A_246, %sign3A_249 : i32
    %ne3A_251 = arith.cmpi ne, %sign3A_243, %sign3A_250 : i32
    %rem3A_252 = arith.remsi %add3A_234, %jit3A_235 : i32
    %ne3A_253 = arith.constant 0 : i32
    %ne3A_254 = arith.cmpi ne, %rem3A_252, %ne3A_253 : i32
    %and3A_255 = arith.andi %ne3A_251, %ne3A_254 : i1
    %sub3A_256 = arith.constant 1 : i32
    %sub3A_257 = arith.subi %div3A_236, %sub3A_256 : i32
    %select_n3A_258 = arith.select %and3A_255, %sub3A_257, %div3A_236 : i32
    %jit3A_259 = arith.constant 2 : i32
    %eq3A_260 = arith.constant 0 : i32
    %eq3A_261 = arith.cmpi eq, %jit3A_259, %eq3A_260 : i32
    %jit3A_262 = arith.constant 1 : i32
    %select_n3A_263 = arith.select %eq3A_261, %jit3A_262, %jit3A_259 : i32
    %rem3A_264 = arith.remsi %add3A_234, %select_n3A_263 : i32
    %ne3A_265 = arith.constant 0 : i32
    %ne3A_266 = arith.cmpi ne, %rem3A_264, %ne3A_265 : i32
    %lt3A_267 = arith.constant 0 : i32
    %lt3A_268 = arith.cmpi slt, %rem3A_264, %lt3A_267 : i32
    %lt3A_269 = arith.constant 0 : i32
    %lt3A_270 = arith.cmpi slt, %select_n3A_263, %lt3A_269 : i32
    %ne3A_271 = arith.xori %lt3A_268, %lt3A_270 : i1
    %and3A_272 = arith.andi %ne3A_271, %ne3A_266 : i1
    %add3A_273 = arith.addi %rem3A_264, %select_n3A_263 : i32
    %select_n3A_274 = arith.select %and3A_272, %add3A_273, %rem3A_264 : i32
    %jit3A_275 = arith.constant 16 : i32
    %div3A_276 = arith.divsi %select_n3A_258, %jit3A_275 : i32
    %sign3A_277 = arith.constant 0 : i32
    %sign3A_278 = arith.cmpi sgt, %select_n3A_258, %sign3A_277 : i32
    %sign3A_279 = arith.extui %sign3A_278 : i1 to i32
    %sign3A_280 = arith.constant 0 : i32
    %sign3A_281 = arith.cmpi slt, %select_n3A_258, %sign3A_280 : i32
    %sign3A_282 = arith.extui %sign3A_281 : i1 to i32
    %sign3A_283 = arith.subi %sign3A_279, %sign3A_282 : i32
    %sign3A_284 = arith.constant 0 : i32
    %sign3A_285 = arith.cmpi sgt, %jit3A_275, %sign3A_284 : i32
    %sign3A_286 = arith.extui %sign3A_285 : i1 to i32
    %sign3A_287 = arith.constant 0 : i32
    %sign3A_288 = arith.cmpi slt, %jit3A_275, %sign3A_287 : i32
    %sign3A_289 = arith.extui %sign3A_288 : i1 to i32
    %sign3A_290 = arith.subi %sign3A_286, %sign3A_289 : i32
    %ne3A_291 = arith.cmpi ne, %sign3A_283, %sign3A_290 : i32
    %rem3A_292 = arith.remsi %select_n3A_258, %jit3A_275 : i32
    %ne3A_293 = arith.constant 0 : i32
    %ne3A_294 = arith.cmpi ne, %rem3A_292, %ne3A_293 : i32
    %and3A_295 = arith.andi %ne3A_291, %ne3A_294 : i1
    %sub3A_296 = arith.constant 1 : i32
    %sub3A_297 = arith.subi %div3A_276, %sub3A_296 : i32
    %select_n3A_298 = arith.select %and3A_295, %sub3A_297, %div3A_276 : i32
    %jit3A_299 = arith.constant 16 : i32
    %eq3A_300 = arith.constant 0 : i32
    %eq3A_301 = arith.cmpi eq, %jit3A_299, %eq3A_300 : i32
    %jit3A_302 = arith.constant 1 : i32
    %select_n3A_303 = arith.select %eq3A_301, %jit3A_302, %jit3A_299 : i32
    %rem3A_304 = arith.remsi %select_n3A_258, %select_n3A_303 : i32
    %ne3A_305 = arith.constant 0 : i32
    %ne3A_306 = arith.cmpi ne, %rem3A_304, %ne3A_305 : i32
    %lt3A_307 = arith.constant 0 : i32
    %lt3A_308 = arith.cmpi slt, %rem3A_304, %lt3A_307 : i32
    %lt3A_309 = arith.constant 0 : i32
    %lt3A_310 = arith.cmpi slt, %select_n3A_303, %lt3A_309 : i32
    %ne3A_311 = arith.xori %lt3A_308, %lt3A_310 : i1
    %and3A_312 = arith.andi %ne3A_311, %ne3A_306 : i1
    %add3A_313 = arith.addi %rem3A_304, %select_n3A_303 : i32
    %select_n3A_314 = arith.select %and3A_312, %add3A_313, %rem3A_304 : i32
    %mul3A_315 = arith.constant 21 : i32
    %mul3A_316 = arith.muli %mul3A_315, %select_n3A_314 : i32
    %jit3A_317 = arith.constant 5 : i32
    %div3A_318 = arith.divsi %mul3A_316, %jit3A_317 : i32
    %sign3A_319 = arith.constant 0 : i32
    %sign3A_320 = arith.cmpi sgt, %mul3A_316, %sign3A_319 : i32
    %sign3A_321 = arith.extui %sign3A_320 : i1 to i32
    %sign3A_322 = arith.constant 0 : i32
    %sign3A_323 = arith.cmpi slt, %mul3A_316, %sign3A_322 : i32
    %sign3A_324 = arith.extui %sign3A_323 : i1 to i32
    %sign3A_325 = arith.subi %sign3A_321, %sign3A_324 : i32
    %sign3A_326 = arith.constant 0 : i32
    %sign3A_327 = arith.cmpi sgt, %jit3A_317, %sign3A_326 : i32
    %sign3A_328 = arith.extui %sign3A_327 : i1 to i32
    %sign3A_329 = arith.constant 0 : i32
    %sign3A_330 = arith.cmpi slt, %jit3A_317, %sign3A_329 : i32
    %sign3A_331 = arith.extui %sign3A_330 : i1 to i32
    %sign3A_332 = arith.subi %sign3A_328, %sign3A_331 : i32
    %ne3A_333 = arith.cmpi ne, %sign3A_325, %sign3A_332 : i32
    %rem3A_334 = arith.remsi %mul3A_316, %jit3A_317 : i32
    %ne3A_335 = arith.constant 0 : i32
    %ne3A_336 = arith.cmpi ne, %rem3A_334, %ne3A_335 : i32
    %and3A_337 = arith.andi %ne3A_333, %ne3A_336 : i1
    %sub3A_338 = arith.constant 1 : i32
    %sub3A_339 = arith.subi %div3A_318, %sub3A_338 : i32
    %select_n3A_340 = arith.select %and3A_337, %sub3A_339, %div3A_318 : i32
    %mul3A_341 = arith.constant 64 : i32
    %mul3A_342 = arith.muli %select_n3A_298, %mul3A_341 : i32
    %add3A_343 = arith.addi %mul3A_342, %select_n3A_340 : i32
    %mul3A_344 = arith.constant 2 : i32
    %mul3A_345 = arith.muli %add3A_343, %mul3A_344 : i32
    %add3A_346 = arith.addi %mul3A_345, %select_n3A_274 : i32
    %mul3A_347 = arith.constant 128 : i32
    %mul3A_348 = arith.muli %add3A_346, %mul3A_347 : i32
    %mul3A_349 = arith.constant 128 : i32
    %mul3A_350 = arith.muli %add3A_234, %mul3A_349 : i32
    %dma_start3A = arith.constant 0 : i32
    %dma_start3A_351 = tpu.memref_slice %arg2[%mul3A_108, %dma_start3A] : memref<49152x256xf32, #tpu.memory_space<hbm>> -> memref<128x256xf32, #tpu.memory_space<hbm>>
    %dma_start3A_352 = arith.constant 0 : i32
    %dma_start3A_353 = tpu.memref_slice %arg2[%mul3A_108, %dma_start3A_352] : memref<49152x256xf32, #tpu.memory_space<hbm>> -> memref<128x256xf32, #tpu.memory_space<hbm>>
    tpu.enqueue_dma source(%dma_start3A_353 : memref<128x256xf32, #tpu.memory_space<hbm>>) target(%arg4 : memref<128x256xf32, #tpu.memory_space<vmem>>) target_semaphore(%arg7 : memref<!tpu.dma_semaphore, #tpu.memory_space<semaphore_mem>>)
    %dma_start3A_354 = arith.constant 0 : i32
    %dma_start3A_355 = tpu.memref_slice %arg2[%mul3A_228, %dma_start3A_354] : memref<49152x256xf32, #tpu.memory_space<hbm>> -> memref<128x256xf32, #tpu.memory_space<hbm>>
    %dma_start3A_356 = arith.constant 0 : i32
    %dma_start3A_357 = tpu.memref_slice %arg2[%mul3A_228, %dma_start3A_356] : memref<49152x256xf32, #tpu.memory_space<hbm>> -> memref<128x256xf32, #tpu.memory_space<hbm>>
    tpu.enqueue_dma source(%dma_start3A_357 : memref<128x256xf32, #tpu.memory_space<hbm>>) target(%arg5 : memref<128x256xf32, #tpu.memory_space<vmem>>) target_semaphore(%arg7 : memref<!tpu.dma_semaphore, #tpu.memory_space<semaphore_mem>>)
    %dma_start3A_358 = arith.constant 0 : i32
    %dma_start3A_359 = tpu.memref_slice %arg2[%mul3A_348, %dma_start3A_358] : memref<49152x256xf32, #tpu.memory_space<hbm>> -> memref<128x256xf32, #tpu.memory_space<hbm>>
    %dma_start3A_360 = arith.constant 0 : i32
    %dma_start3A_361 = tpu.memref_slice %arg2[%mul3A_348, %dma_start3A_360] : memref<49152x256xf32, #tpu.memory_space<hbm>> -> memref<128x256xf32, #tpu.memory_space<hbm>>
    tpu.enqueue_dma source(%dma_start3A_361 : memref<128x256xf32, #tpu.memory_space<hbm>>) target(%arg6 : memref<128x256xf32, #tpu.memory_space<vmem>>) target_semaphore(%arg7 : memref<!tpu.dma_semaphore, #tpu.memory_space<semaphore_mem>>)
    %dma_wait3A = arith.constant 0 : i32
    %dma_wait3A_362 = tpu.memref_slice %arg2[%mul3A_108, %dma_wait3A] : memref<49152x256xf32, #tpu.memory_space<hbm>> -> memref<128x256xf32, #tpu.memory_space<hbm>>
    %dma_wait3A_363 = arith.constant 0 : i32
    %dma_wait3A_364 = tpu.memref_slice %arg2[%mul3A_108, %dma_wait3A_363] : memref<49152x256xf32, #tpu.memory_space<hbm>> -> memref<128x256xf32, #tpu.memory_space<hbm>>
    tpu.wait_dma2 semaphore(%arg7 : memref<!tpu.dma_semaphore, #tpu.memory_space<semaphore_mem>>) src(%dma_wait3A_364 : memref<128x256xf32, #tpu.memory_space<hbm>>) dst(%arg4 : memref<128x256xf32, #tpu.memory_space<vmem>>)
    %dma_start3A_365 = arith.constant 0 : i32
    %dma_start3A_366 = tpu.memref_slice %arg3[%mul3A_110, %dma_start3A_365] : memref<12288x256xf32, #tpu.memory_space<hbm>> -> memref<128x256xf32, #tpu.memory_space<hbm>>
    %dma_start3A_367 = arith.constant 0 : i32
    %dma_start3A_368 = tpu.memref_slice %arg3[%mul3A_110, %dma_start3A_367] : memref<12288x256xf32, #tpu.memory_space<hbm>> -> memref<128x256xf32, #tpu.memory_space<hbm>>
    tpu.enqueue_dma source(%arg4 : memref<128x256xf32, #tpu.memory_space<vmem>>) target(%dma_start3A_368 : memref<128x256xf32, #tpu.memory_space<hbm>>) target_semaphore(%arg8 : memref<!tpu.dma_semaphore, #tpu.memory_space<semaphore_mem>>)
    %dma_wait3A_369 = arith.constant 0 : i32
    %dma_wait3A_370 = tpu.memref_slice %arg2[%mul3A_228, %dma_wait3A_369] : memref<49152x256xf32, #tpu.memory_space<hbm>> -> memref<128x256xf32, #tpu.memory_space<hbm>>
    %dma_wait3A_371 = arith.constant 0 : i32
    %dma_wait3A_372 = tpu.memref_slice %arg2[%mul3A_228, %dma_wait3A_371] : memref<49152x256xf32, #tpu.memory_space<hbm>> -> memref<128x256xf32, #tpu.memory_space<hbm>>
    tpu.wait_dma2 semaphore(%arg7 : memref<!tpu.dma_semaphore, #tpu.memory_space<semaphore_mem>>) src(%dma_wait3A_372 : memref<128x256xf32, #tpu.memory_space<hbm>>) dst(%arg5 : memref<128x256xf32, #tpu.memory_space<vmem>>)
    %dma_start3A_373 = arith.constant 0 : i32
    %dma_start3A_374 = tpu.memref_slice %arg3[%mul3A_230, %dma_start3A_373] : memref<12288x256xf32, #tpu.memory_space<hbm>> -> memref<128x256xf32, #tpu.memory_space<hbm>>
    %dma_start3A_375 = arith.constant 0 : i32
    %dma_start3A_376 = tpu.memref_slice %arg3[%mul3A_230, %dma_start3A_375] : memref<12288x256xf32, #tpu.memory_space<hbm>> -> memref<128x256xf32, #tpu.memory_space<hbm>>
    tpu.enqueue_dma source(%arg5 : memref<128x256xf32, #tpu.memory_space<vmem>>) target(%dma_start3A_376 : memref<128x256xf32, #tpu.memory_space<hbm>>) target_semaphore(%arg8 : memref<!tpu.dma_semaphore, #tpu.memory_space<semaphore_mem>>)
    %dma_wait3A_377 = arith.constant 0 : i32
    %dma_wait3A_378 = tpu.memref_slice %arg2[%mul3A_348, %dma_wait3A_377] : memref<49152x256xf32, #tpu.memory_space<hbm>> -> memref<128x256xf32, #tpu.memory_space<hbm>>
    %dma_wait3A_379 = arith.constant 0 : i32
    %dma_wait3A_380 = tpu.memref_slice %arg2[%mul3A_348, %dma_wait3A_379] : memref<49152x256xf32, #tpu.memory_space<hbm>> -> memref<128x256xf32, #tpu.memory_space<hbm>>
    tpu.wait_dma2 semaphore(%arg7 : memref<!tpu.dma_semaphore, #tpu.memory_space<semaphore_mem>>) src(%dma_wait3A_380 : memref<128x256xf32, #tpu.memory_space<hbm>>) dst(%arg6 : memref<128x256xf32, #tpu.memory_space<vmem>>)
    %dma_start3A_381 = arith.constant 0 : i32
    %dma_start3A_382 = tpu.memref_slice %arg3[%mul3A_350, %dma_start3A_381] : memref<12288x256xf32, #tpu.memory_space<hbm>> -> memref<128x256xf32, #tpu.memory_space<hbm>>
    %dma_start3A_383 = arith.constant 0 : i32
    %dma_start3A_384 = tpu.memref_slice %arg3[%mul3A_350, %dma_start3A_383] : memref<12288x256xf32, #tpu.memory_space<hbm>> -> memref<128x256xf32, #tpu.memory_space<hbm>>
    tpu.enqueue_dma source(%arg6 : memref<128x256xf32, #tpu.memory_space<vmem>>) target(%dma_start3A_384 : memref<128x256xf32, #tpu.memory_space<hbm>>) target_semaphore(%arg8 : memref<!tpu.dma_semaphore, #tpu.memory_space<semaphore_mem>>)
    %dma_wait3A_385 = arith.constant 0 : i32
    %dma_wait3A_386 = tpu.memref_slice %arg3[%mul3A_110, %dma_wait3A_385] : memref<12288x256xf32, #tpu.memory_space<hbm>> -> memref<128x256xf32, #tpu.memory_space<hbm>>
    %dma_wait3A_387 = arith.constant 0 : i32
    %dma_wait3A_388 = tpu.memref_slice %arg3[%mul3A_110, %dma_wait3A_387] : memref<12288x256xf32, #tpu.memory_space<hbm>> -> memref<128x256xf32, #tpu.memory_space<hbm>>
    tpu.wait_dma2 semaphore(%arg8 : memref<!tpu.dma_semaphore, #tpu.memory_space<semaphore_mem>>) src(%arg4 : memref<128x256xf32, #tpu.memory_space<vmem>>) dst(%dma_wait3A_388 : memref<128x256xf32, #tpu.memory_space<hbm>>)
    %dma_wait3A_389 = arith.constant 0 : i32
    %dma_wait3A_390 = tpu.memref_slice %arg3[%mul3A_230, %dma_wait3A_389] : memref<12288x256xf32, #tpu.memory_space<hbm>> -> memref<128x256xf32, #tpu.memory_space<hbm>>
    %dma_wait3A_391 = arith.constant 0 : i32
    %dma_wait3A_392 = tpu.memref_slice %arg3[%mul3A_230, %dma_wait3A_391] : memref<12288x256xf32, #tpu.memory_space<hbm>> -> memref<128x256xf32, #tpu.memory_space<hbm>>
    tpu.wait_dma2 semaphore(%arg8 : memref<!tpu.dma_semaphore, #tpu.memory_space<semaphore_mem>>) src(%arg5 : memref<128x256xf32, #tpu.memory_space<vmem>>) dst(%dma_wait3A_392 : memref<128x256xf32, #tpu.memory_space<hbm>>)
    %dma_wait3A_393 = arith.constant 0 : i32
    %dma_wait3A_394 = tpu.memref_slice %arg3[%mul3A_350, %dma_wait3A_393] : memref<12288x256xf32, #tpu.memory_space<hbm>> -> memref<128x256xf32, #tpu.memory_space<hbm>>
    %dma_wait3A_395 = arith.constant 0 : i32
    %dma_wait3A_396 = tpu.memref_slice %arg3[%mul3A_350, %dma_wait3A_395] : memref<12288x256xf32, #tpu.memory_space<hbm>> -> memref<128x256xf32, #tpu.memory_space<hbm>>
    tpu.wait_dma2 semaphore(%arg8 : memref<!tpu.dma_semaphore, #tpu.memory_space<semaphore_mem>>) src(%arg6 : memref<128x256xf32, #tpu.memory_space<vmem>>) dst(%dma_wait3A_396 : memref<128x256xf32, #tpu.memory_space<hbm>>)
    return
  }
}

module attributes {stable_mosaic.version = 14 : i64} {
  func.func @_tc_copy_body(%arg0: i32, %arg1: i32, %arg2: memref<1x32x256x256xf32, #tpu.memory_space<vmem>>, %arg3: memref<1x32x256x256xf32, #tpu.memory_space<vmem>>) attributes {dimension_semantics = [#tpu.dimension_semantics<arbitrary>, #tpu.dimension_semantics<arbitrary>], iteration_bounds = array<i64: 3, 2>, scalar_prefetch = 0 : i64, scratch_operands = 0 : i64, tpu.core_type = #tpu.core_type<tc>, window_params = [{transform_indices = @transform_0, window_bounds = array<i64: 1, 32, 256, 256>}, {transform_indices = @transform_1, window_bounds = array<i64: 1, 32, 256, 256>}]} {
    %get3A = arith.constant 0 : index
    %get3A_0 = arith.constant 0 : index
    %get3A_1 = arith.constant 0 : index
    %get3A_2 = arith.constant 0 : index
    %get3A_3 = vector.load %arg2[%get3A, %get3A_0, %get3A_1, %get3A_2] : memref<1x32x256x256xf32, #tpu.memory_space<vmem>>, vector<1x32x256x256xf32>
    %swap3A = arith.constant 0 : index
    %swap3A_4 = arith.constant 0 : index
    %swap3A_5 = arith.constant 0 : index
    %swap3A_6 = arith.constant 0 : index
    %swap3A_7 = vector.load %arg3[%swap3A, %swap3A_4, %swap3A_5, %swap3A_6] : memref<1x32x256x256xf32, #tpu.memory_space<vmem>>, vector<1x32x256x256xf32>
    tpu.vector_store %arg3[%swap3A, %swap3A_4, %swap3A_5, %swap3A_6], %get3A_3 {strides = array<i32>} : memref<1x32x256x256xf32, #tpu.memory_space<vmem>>, vector<1x32x256x256xf32>,
    return
  }
  func.func @transform_0(%arg0: i32, %arg1: i32) -> (i32, i32, i32, i32) {
    %c0_i32 = arith.constant 0 : i32
    %c0_i32_0 = arith.constant 0 : i32
    %c0_i32_1 = arith.constant 0 : i32
    return %arg0, %arg1, %c0_i32, %c0_i32_0 : i32, i32, i32, i32
  }
  func.func @transform_1(%arg0: i32, %arg1: i32) -> (i32, i32, i32, i32) {
    %c0_i32 = arith.constant 0 : i32
    %c0_i32_0 = arith.constant 0 : i32
    %c0_i32_1 = arith.constant 0 : i32
    return %arg0, %arg1, %c0_i32, %c0_i32_0 : i32, i32, i32, i32
  }
}

</mosaic_0001>

<sc_bundles>
// kernel: kernel.4.cloned.1.call-start
scs
__scs_entry_jumppad:
0x0: {  	(pc) =	sbr.rel $0x88, $3  }
0x1: {  	(tag) =	ssettag $0x0;
	lr =	simm.s32 $0x1  }
0x2: {  	[smem:$0x3FA0] =	sst lr;
	_ =	strace $0xD0000000  }
0x3: {  	_ = 	snop  }
0x4: {  	_ = 	snop  }
0x5: {  	_ = 	snop  }
0x6: {  	_ = 	snop  }
0x7: {  	_ = 	snop  }
__scs_overlays_trampoline_lowered:
0x8: {  	[smem:$0x3FAF] =	sst s0  }
0x9: {  	[smem:$0x3FB0] =	sst s1  }
0xa: {  	[smem:$0x3FB1] =	sst s2  }
0xb: {  	[smem:$0x3FB2] =	sst s3  }
0xc: {  	[smem:$0x3FB3] =	sst s4  }
0xd: {  	[smem:$0x3FB4] =	sst s5  }
0xe: {  	[smem:$0x3FB5] =	sst s6  }
0xf: {  	[smem:$0x3FB6] =	sst s7  }
0x10: {  	[smem:$0x3FB7] =	sst s8  }
0x11: {  	[smem:$0x3FB8] =	sst s9;
	s0 =	simm.s32 @!p0 $0x0  }
0x12: {  	s1 =	sld [smem:$0x3F9E];
	s0 =	simm.s32 @p0 $0x1  }
0x13: {  	[smem:$0x3FB9] =	sst s0;
	s0 =	simm.s32 @!p1 $0x0  }
0x14: {  	s2 =	sld [smem:$0x3F9D];
	s0 =	simm.s32 @p1 $0x1  }
0x15: {  	[smem:$0x3FBA] =	sst s0;
	s0 =	simm.s32 @!p2 $0x0  }
0x16: {  	s3 =	sld [smem:$0x3FDB];
	s0 =	simm.s32 @p2 $0x1  }
0x17: {  	s4 =	simm.s32 $0x1BF5;
	[smem:$0x3FBC] =	sst s0  }
0x18: {  	s0 =	sld [smem:$0x3F9F];
	_ =	swait.ge [sflag:s4], $0x0  }
0x19: {  	s7 =	sld [smem:$0x3FA0]  }
0x1a: {  	s8 =	sadd.s32 $0xFFFFE003, lr  }
0x1b: {  	s9 =	sadd.s32 $0xFFFFFEF7, lr;
	s5 =	simm.s32 $0xFFFFFFFF;
	p2 =	slt.u32 s8, $0xFFFFF086  }
0x1c: {  	p1 =	slt.u32 s9, $0xF7A;
	s5 =	simm.s32 @!p2 $0x0  }
0x1d: {  	s5 =	simm.s32 @p1 $0x1;
	p0 =	seq.s32 s7, s2  }
0x1e: {  	s7 =	smul.u32 @!p0 $0xF7A, s2;
	p2 =	seq.s32 @!p0 s5, $0x0  }
0x1f: {  	s9 =	smul.u32 $0xF7A, s1;
	s8 =	simm.s32 @!p0 $0x1BF5;
	p2 =	por !p2, p0  }
0x20: {  	[sflag:s8] =	ssyncset.s32 @!p0 $0xFFFFF086;
	s6 =	sadd.s32 @!p0 s3, s7;
	s7 =	simm.s32 @!p0 $0x108  }
0x21: {  	s3 =	sadd.s32 s3, s9;
	s6 =	sadd.s32 @!p0 $0x88, s6;
	s7 =	simm.s32 @p2 $0x1082  }
0x22: {  	[simem:s7], [sflag:s8] =	dma.local @!p0 [hbm:s6], $0xF7A  }
0x23: {  	s9 =	sor.u32 $0xD0000000, s2;
	s6 =	simm.s32 $0x108;
	_ =	swait.ge @!p0 [sflag:s8], $0x0  }
0x24: {  	s3 =	sadd.s32 $0x88, s3;
	s6 =	simm.s32 @!p1 $0x1082;
	[sflag:s4] =	ssyncset.s32 $0xFFFFF086  }
0x25: {  	[simem:s6], [sflag:s4] =	dma.local [hbm:s3], $0xF7A  }
0x26: {  	[smem:$0x3FA0] =	sst s1;
	(tag) =	ssettag s2;
	_ =	strace s9  }
0x27: {  	s1 =	sld [smem:$0x3FB0]  }
0x28: {  	s2 =	sld [smem:$0x3FB1]  }
0x29: {  	s4 =	sld [smem:$0x3FB3]  }
0x2a: {  	p0 =	seq.s32 s5, $0x0;
	s5 =	sld [smem:$0x3FB4]  }
0x2b: {  	s6 =	sld [smem:$0x3FB5]  }
0x2c: {  	s7 =	sld [smem:$0x3FB6]  }
0x2d: {  	s3 =	simm.s32 $0x108;
	s8 =	sld [smem:$0x3FB7]  }
0x2e: {  	s3 =	simm.s32 @!p0 $0x1082;
	s9 =	sld [smem:$0x3FB8]  }
0x2f: {  	lr =	sadd.s32 s0, s3;
	s0 =	sld [smem:$0x3FAF]  }
0x30: {  	s3 =	sld [smem:$0x3FB2]  }
0x31: {  	[smem:$0x3FBB] =	sst s10  }
0x32: {  	s10 =	sld [smem:$0x3FB9];
	_ =	sdelay $0x3  }
0x33: {  	p0 =	seq.s32 s10, $0x1;
	s10 =	sld [smem:$0x3FBB];
	_ =	sdelay $0x3  }
0x34: {  	[smem:$0x3FBB] =	sst s10  }
0x35: {  	s10 =	sld [smem:$0x3FBA];
	_ =	sdelay $0x3  }
0x36: {  	p1 =	seq.s32 s10, $0x1;
	s10 =	sld [smem:$0x3FBB];
	_ =	sdelay $0x3  }
0x37: {  	[smem:$0x3FBB] =	sst s10  }
0x38: {  	s10 =	sld [smem:$0x3FBC]  }
0x39: {  	_ = 	snop;
	(pc) =	sbr.ind lr, $3  }
0x3a: {  	_ = 	snop  }
0x3b: {  	_ = 	snop  }
0x3c: {  	p2 =	seq.s32 s10, $0x1;
	s10 =	sld [smem:$0x3FBB]  }
0x3d: {  	_ =	shalt  }
0x3e: {  	_ =	shalt  }
0x3f: {  	_ =	shalt  }
0x40: {  	_ =	shalt  }
0x41: {  	_ =	shalt  }
0x42: {  	_ =	shalt  }
0x43: {  	_ =	shalt  }
0x44: {  	_ =	shalt  }
0x45: {  	_ =	shalt  }
0x46: {  	_ =	shalt  }
0x47: {  	_ =	shalt  }
0x48: {  	_ =	shalt  }
0x49: {  	_ =	shalt  }
0x4a: {  	_ =	shalt  }
0x4b: {  	_ =	shalt  }
0x4c: {  	_ =	shalt  }
0x4d: {  	_ =	shalt  }
0x4e: {  	_ =	shalt  }
0x4f: {  	_ =	shalt  }
0x50: {  	_ =	shalt  }
0x51: {  	_ =	shalt  }
0x52: {  	_ =	shalt  }
0x53: {  	_ =	shalt  }
0x54: {  	_ =	shalt  }
0x55: {  	_ =	shalt  }
0x56: {  	_ =	shalt  }
0x57: {  	_ =	shalt  }
0x58: {  	_ =	shalt  }
0x59: {  	_ =	shalt  }
0x5a: {  	_ =	shalt  }
0x5b: {  	_ =	shalt  }
0x5c: {  	_ =	shalt  }
0x5d: {  	_ =	shalt  }
0x5e: {  	_ =	shalt  }
0x5f: {  	_ =	shalt  }
0x60: {  	_ =	shalt  }
0x61: {  	_ =	shalt  }
0x62: {  	_ =	shalt  }
0x63: {  	_ =	shalt  }
0x64: {  	_ =	shalt  }
0x65: {  	_ =	shalt  }
0x66: {  	_ =	shalt  }
0x67: {  	_ =	shalt  }
0x68: {  	_ =	shalt  }
0x69: {  	_ =	shalt  }
0x6a: {  	_ =	shalt  }
0x6b: {  	_ =	shalt  }
0x6c: {  	_ =	shalt  }
0x6d: {  	_ =	shalt  }
0x6e: {  	_ =	shalt  }
0x6f: {  	_ =	shalt  }
0x70: {  	_ =	shalt  }
0x71: {  	_ =	shalt  }
0x72: {  	_ =	shalt  }
0x73: {  	_ =	shalt  }
0x74: {  	_ =	shalt  }
0x75: {  	_ =	shalt  }
0x76: {  	_ =	shalt  }
0x77: {  	_ =	shalt  }
0x78: {  	_ =	shalt  }
0x79: {  	_ =	shalt  }
0x7a: {  	_ =	shalt  }
0x7b: {  	_ =	shalt  }
0x7c: {  	_ =	shalt  }
0x7d: {  	_ =	shalt  }
0x7e: {  	_ =	shalt  }
0x7f: {  	_ =	shalt  }
0x80: {  	_ =	shalt  }
0x81: {  	_ =	shalt  }
0x82: {  	_ =	shalt  }
0x83: {  	_ =	shalt  }
0x84: {  	_ =	shalt  }
0x85: {  	_ =	shalt  }
0x86: {  	_ =	shalt  }
0x87: {  	_ =	shalt  }
.Lfunc_end0:
.L_simem_size_0:
called_computation_lowered:
.L_overlay_start_0:
0x88: {  	s2 =	sld [smem:$0x3FD9]  }
0x89: {  	s3 =	sld [smem:$0x3FFE];
	_ =	sdelay $0x1  }
0x8a: {  	s1 =	srdreg.scid  }
0x8b: {  	s0 =	sand.u32 $0x1, s1  }
0x8c: {  	s15 =	sshll.u32 s0, $0xA;
	s2 =	sadd.s32 s3, s2  }
0x8d: {  	s2 =	sadd.s32 s2, s15  }
0x8e: {  	[smem:$0x3FC7] =	sst s2  }
0x8f: {  	_ = 	snop  }
0x90: {  	s2 =	sld [smem:$0x3FD0];
	_ =	sdelay $0x2  }
0x91: {  	s4 =	simm.s32 $0xA;
	s5 =	simm.s32 $0x10;
	s16 =	sld [smem:$0x3FC9]  }
0x92: {  	[smem:s5], [sflag:s4] =	dma.local [hbm:s2], $0x1  }
0x93: {  	_ =	swait.eq [sflag:s4], $0x1  }
0x94: {  	[sflag:s4] =	ssyncset.done $0x0  }
0x95: {  	[sflag:s4] =	ssyncadd.s32 $0xFFFFFFFF  }
0x96: {  	s17 =	sld [smem:$0x10];
	(tm) =	ssettm $0x1  }
0x97: {  	s18 =	sld [smem:$0x3FFB];
	_ =	sdelay $0x3  }
0x98: {  	_ =	strace s18  }
0x99: {  	s4 =	sld [smem:$0x3FFC];
	_ =	sdelay $0x3  }
0x9a: {  	_ =	strace s4  }
0x9b: {  	s4 =	sld [smem:$0x3FFD];
	_ =	sdelay $0x3  }
0x9c: {  	_ =	strace s4  }
0x9d: {  	_ =	strace $0x8FFFFFFF  }
0x9e: {  	s19 =	sld [smem:$0x3FDB];
	_ =	sdelay $0x1  }
0x9f: {  	s20 =	simm.s32 $_scs_section_size  }
0xa0: {  	s6 =	simm.s32 $_size__tile_overlayer_lowered;
	s7 =	simm.s32 $_tile_overlayer_lowered  }
0xa1: {  	s23 =	simm.s32 $0x1BFF;
	s22 =	sshll.u32 s7, $0x1;
	s4 =	sadd.s32 s20, s19  }
0xa2: {  	s8 =	simm.s32 $0x0;
	s21 =	sshll.u32 s6, $0x1;
	s6 =	sadd.s32 s22, s4  }
0xa3: {  	[timem:s8], [sflag:s23] =	dma.local [hbm:s6], s21  }
0xa4: {  	_ =	swait.ge [sflag:s23], s21  }
0xa5: {  	s5 =	ssub.s32 $0x0, s21;
	[sflag:s23] =	ssyncset.done $0x0  }
0xa6: {  	[sflag:s23] =	ssyncadd.s32 s5;
	_ =	sdelay $0x1  }
0xa7: {  	s24 =	simm.s32 $0x1B8B  }
0xa8: {  	_ =	swait.ge [sflag:s24], $0x1  }
0xa9: {  	[sflag:s24] =	ssyncset.done $0x0  }
0xaa: {  	s25 =	simm.s32 $0x1B8E;
	[sflag:s24] =	ssyncadd.s32 $0xFFFFFFFF  }
0xab: {  	s26 =	simm.s32 $execute0_lowered;
	[smem:$0x3FD2] =	sst s25  }
0xac: {  	s5 =	sshll.u32 s26, $0x1;
	_ =	strace $0x80000046;
	[dreg:$0x1] =	wrdreg $0xFFFFFFFF  }
0xad: {  	s28 =	simm.s32 $_size_execute0_lowered;
	s4 =	sadd.s32 s4, s5;
	[dreg:$0x0] =	wrdreg $0x0  }
0xae: {  	s5 =	sshll.u32 s28, $0x1;
	[dreg:$0x2] =	wrdreg s4  }
0xaf: {  	[dreg:$0x3] =	wrdreg s5  }
0xb0: {  	[dreg:$0x4] =	wrdreg $0xC0  }
0xb1: {  	_ =	task [dreg:s8], $0x5FFFF  }
0xb2: {  	[dreg:$0x1] =	wrdreg $0xFFFFFFFF  }
0xb3: {  	[dreg:$0x0] =	wrdreg $0x60  }
0xb4: {  	[dreg:$0x2] =	wrdreg s16  }
0xb5: {  	[dreg:$0x3] =	wrdreg s17  }
0xb6: {  	[dreg:$0x4] =	wrdreg $0x9  }
0xb7: {  	_ =	task.clear_ibuf [dreg:s8], $0x5FFFF;
	_ =	strace $0x90000046  }
0xb8: {  	s29 =	simm.s32 $0x9;
	_ =	strace $0x80000048  }
0xb9: {  	_ =	swait.ge [sflag:s29], $0x1  }
0xba: {  	[sflag:s29] =	ssyncadd.s32 $0xFFFFFFFF  }
0xbb: {  	_ =	strace $0x90000048  }
0xbc: {  	_ =	sfence  }
0xbd: {  	s30 =	sld [smem:$0x0];
	_ =	sdelay $0x2  }
0xbe: {  	s31 =	sshll.u32 s1, $0xD;
	s1 =	sshrl.u32 s1, $0x2  }
0xbf: {  	s3 =	sand.u32 $0x4000, s31;
	s1 =	sadd.s32 s1, s30  }
0xc0: {  	s0 =	sor.u32 s3, s0;
	s1 =	sshll.u32 s1, $0x11  }
0xc1: {  	s0 =	sor.u32 s1, s0  }
0xc2: {  	s0 =	sadd.s32 $0x8F2B, s0  }
0xc3: {  	[sflag:s0] =	ssyncadd.remote.s32 $0x1  }
0xc4: {  	_ =	sfence.sel $0xFFFF  }
0xc5: {  	[dreg:$0x0] =	wrdreg $0xFFFFFFFF;
	(pc) =	sbr.abs _section_cstart, $3  }
0xc6: {  	[dreg:$0x1] =	wrdreg $0xFFFFFFFF  }
0xc7: {  	_ =	task.clear_ibuf [dreg:s8], $0x2FFFF;
	_ =	strace $0x9FFFFFFF  }
0xc8: {  	(tm) =	ssettm $0x7FFFFFFF  }
0xc9: {  	_ =	shalt  }
tec
execute0_lowered:
.L_overlay_start_1:
0x0: {  	(tag) =	ssettag $0x1  }
0x1: {  	s1 =	srdreg.scid;
	s0 =	stileid.u32  }
0x2: {  	s13 =	sand.u32 $0x1, s1;
	s25 =	sshll.u32 s0, $0x1  }
0x3: {  	s9 =	sor.u32 s13, s25  }
0x4: {  	s6 =	rddreg [dreg:$0x0];
	s3 =	smul.u32 $0x3, s9  }
0x5: {  	s11 =	rddreg [dreg:$0x1]  }
0x6: {  	s2 =	simm.s32 $0x0;
	s1 =	rddreg [dreg:$0x2];
	s10 =	sadd.s32 $0x1, s3  }
0x7: {  	[smem:$0x7FF] =	sst s2;
	s4 =	sshrl.u32 s10, $0x1  }
0x8: {  	_ =	strace $0x80000047;
	s28 =	smul.u32 $0xC, s9;
	s4 =	sand.u32 $0xF, s4  }
0x9: {  	s7 =	sshrl.u32 s3, $0x1;
	s12 =	sadd.s32 $0x2, s3;
	s4 =	smul.u32 $0x43344, s4  }
0xa: {  	s3 =	sand.u32 $0x1, s3;
	s5 =	sshll.u32 s10, $0x2;
	s7 =	sand.u32 $0xF, s7  }
0xb: {  	s8 =	sshrl.u32 s12, $0x1;
	s7 =	smul.u32 $0x43344, s7;
	s4 =	sshrl.u32 s4, $0xF  }
0xc: {  	s5 =	sand.u32 $0x380, s5;
	s26 =	sand.u32 $0xF, s8;
	s4 =	sand.u32 $0x7E, s4  }
0xd: {  	s7 =	sshrl.u32 s7, $0xF;
	s4 =	sor.u32 s4, s5;
	s5 =	smul.u32 $0x43344, s26  }
0xe: {  	s14 =	sand.u32 $0x1, s10;
	s8 =	sand.u32 $0x180, s28;
	s7 =	sand.u32 $0x7E, s7  }
0xf: {  	s29 =	sshll.u32 s12, $0x2;
	s7 =	sor.u32 s7, s8;
	s5 =	sshrl.u32 s5, $0xF  }
0x10: {  	s8 =	sand.u32 $0x380, s29;
	s7 =	sor.u32 s3, s7;
	s5 =	sand.u32 $0x7E, s5  }
0x11: {  	s4 =	sor.u32 s14, s4;
	s7 =	sshll.u32 s7, $0xC;
	s5 =	sor.u32 s5, s8  }
0x12: {  	s4 =	sshll.u32 s4, $0xC;
	s5 =	sor.u32 s3, s5;
	s3 =	sadd.s32 s6, s7  }
0x13: {  	[tilespmem:s2], [sflag:$0x1] =	stream.linear.gather [hbm4b:s3+s2], $0x8000, $0x38;
	[tilespmem:$0x18000] =	vst v63  }
0x14: {  	s4 =	sadd.s32 s6, s4;
	s30 =	sshll.u32 s5, $0xC;
	s5 =	simm.s32 $0x8000  }
0x15: {  	[tilespmem:s5], [sflag:$0x1] =	stream.linear.gather [hbm4b:s4+s2], $0x8000, $0x38;
	[tilespmem:$0x18000] =	vst v63  }
0x16: {  	s8 =	simm.s32 $0x1;
	s7 =	simm.s32 $0x10000;
	s6 =	sadd.s32 s6, s30  }
0x17: {  	[tilespmem:s7], [sflag:$0x1] =	stream.linear.gather [hbm4b:s6+s2], $0x8000, $0x38;
	[tilespmem:$0x18000] =	vst v63  }
0x18: {  	s9 =	smul.u32 $0x3000, s9;
	_ =	swait.ge [sflag:s8], $0x8000  }
0x19: {  	[sflag:s8] =	ssyncset.done $0x0  }
0x1a: {  	s9 =	sadd.s32 s11, s9;
	[sflag:s8] =	ssyncadd.s32 $0xFFFF8000  }
0x1b: {  	[hbm4b:s9+s2] =	stream.linear.scatter [tilespmem:s2], [sflag:$0x2], $0x8000, $0x38;
	[tilespmem:$0x18000] =	vst v63  }
0x1c: {  	_ =	swait.ge [sflag:s8], $0x8000  }
0x1d: {  	s10 =	sshll.u32 s10, $0xC;
	[sflag:s8] =	ssyncset.done $0x0  }
0x1e: {  	s10 =	sadd.s32 s11, s10;
	[sflag:s8] =	ssyncadd.s32 $0xFFFF8000  }
0x1f: {  	[hbm4b:s10+s2] =	stream.linear.scatter [tilespmem:s5], [sflag:$0x2], $0x8000, $0x38;
	[tilespmem:$0x18000] =	vst v63  }
0x20: {  	s13 =	ssub.s32 $0x2, s13;
	_ =	swait.ge [sflag:s8], $0x8000  }
0x21: {  	s31 =	sshrl.u32 s13, $0x1;
	s12 =	sshll.u32 s12, $0xC;
	[sflag:s8] =	ssyncset.done $0x0  }
0x22: {  	s12 =	sadd.s32 s11, s12;
	s11 =	simm.s32 $0x2;
	[sflag:s8] =	ssyncadd.s32 $0xFFFF8000  }
0x23: {  	[hbm4b:s12+s2] =	stream.linear.scatter [tilespmem:s7], [sflag:$0x2], $0x8000, $0x38;
	[tilespmem:$0x18000] =	vst v63  }
0x24: {  	s13 =	ssub.s32 s13, s31;
	_ =	swait.ge [sflag:s11], $0x8000  }
0x25: {  	s13 =	smax.u32 s13, $0x1;
	[sflag:s11] =	ssyncset.done $0x0  }
0x26: {  	p0 =	sne.s32 s13, $0x1;
	[sflag:s11] =	ssyncadd.s32 $0xFFFF8000  }
.Ltmp0:
0x27: {  	_ =	swait.ge [sflag:s11], $0x8000;
	(pc) =	sbr.rel @!p0 .LBB2_2-.Ltmp0, $4  }
0x28: {  	[sflag:s11] =	ssyncset.done $0x0  }
0x29: {  	[sflag:s11] =	ssyncadd.s32 $0xFFFF8000  }
0x2a: {  	_ =	swait.ge [sflag:s11], $0x8000  }
0x2b: {  	s13 =	sadd.s32 $0xFFFFFFFF, s13;
	[sflag:s11] =	ssyncset.done $0x0  }
.LBB2_1:
0x2c: {  	p0 =	sne.s32 s13, $0x1;
	s13 =	sadd.s32 $0xFFFFFFFF, s13;
	[sflag:s11] =	ssyncadd.s32 $0xFFFF8000  }
0x2d: {  	[tilespmem:s2], [sflag:$0x1] =	stream.linear.gather [hbm4b:s3+s2], $0x8000, $0x38;
	[tilespmem:$0x18000] =	vst v63  }
0x2e: {  	_ = 	snop  }
0x2f: {  	[tilespmem:s5], [sflag:$0x1] =	stream.linear.gather [hbm4b:s4+s2], $0x8000, $0x38;
	[tilespmem:$0x18000] =	vst v63  }
0x30: {  	_ = 	snop  }
0x31: {  	[tilespmem:s7], [sflag:$0x1] =	stream.linear.gather [hbm4b:s6+s2], $0x8000, $0x38;
	[tilespmem:$0x18000] =	vst v63  }
0x32: {  	_ =	swait.ge [sflag:s8], $0x8000  }
0x33: {  	[sflag:s8] =	ssyncset.done $0x0  }
0x34: {  	[sflag:s8] =	ssyncadd.s32 $0xFFFF8000  }
0x35: {  	[hbm4b:s9+s2] =	stream.linear.scatter [tilespmem:s2], [sflag:$0x2], $0x8000, $0x38;
	[tilespmem:$0x18000] =	vst v63  }
0x36: {  	_ =	swait.ge [sflag:s8], $0x8000  }
0x37: {  	[sflag:s8] =	ssyncset.done $0x0  }
0x38: {  	[sflag:s8] =	ssyncadd.s32 $0xFFFF8000  }
0x39: {  	[hbm4b:s10+s2] =	stream.linear.scatter [tilespmem:s5], [sflag:$0x2], $0x8000, $0x38;
	[tilespmem:$0x18000] =	vst v63  }
0x3a: {  	_ =	swait.ge [sflag:s8], $0x8000  }
0x3b: {  	[sflag:s8] =	ssyncset.done $0x0  }
0x3c: {  	[sflag:s8] =	ssyncadd.s32 $0xFFFF8000  }
0x3d: {  	[hbm4b:s12+s2] =	stream.linear.scatter [tilespmem:s7], [sflag:$0x2], $0x8000, $0x38;
	[tilespmem:$0x18000] =	vst v63  }
0x3e: {  	_ =	swait.ge [sflag:s11], $0x8000  }
0x3f: {  	[sflag:s11] =	ssyncset.done $0x0  }
0x40: {  	[sflag:s11] =	ssyncadd.s32 $0xFFFF8000  }
.Ltmp1:
0x41: {  	_ =	swait.ge [sflag:s11], $0x8000;
	(pc) =	sbr.rel @p0 .LBB2_1-.Ltmp1, $4  }
0x42: {  	[sflag:s11] =	ssyncset.done $0x0  }
0x43: {  	[sflag:s11] =	ssyncadd.s32 $0xFFFF8000  }
0x44: {  	_ =	swait.ge [sflag:s11], $0x8000  }
0x45: {  	[sflag:s11] =	ssyncset.done $0x0  }
.LBB2_2:
0x46: {  	[sflag:s11] =	ssyncadd.s32 $0xFFFF8000  }
0x47: {  	_ =	sfence.sel $0x180000  }
0x48: {  	[bflag:$0x0] =	sbarrier.arrive $0xFFFF  }
0x49: {  	p0 =	sne.s32 s0, $0x0;
	_ =	strace $0x90000047  }
0x4a: {  	s0 =	sadd.s32 @!p0 $0x100000, s1;
	[bflag:$0x2] =	sbarrier.arrive $0xFFFF  }
0x4b: {  	[sflag:s0] =	ssyncadd.tile.s32 @!p0 $0x1;
	_ =	shalt  }
.Lfunc_end2:
_tile_overlayer_lowered:
.L_overlay_start_2:
0x4c: {  	(tag) =	ssettag $0x2  }
0x4d: {  	s0 =	rddreg [dreg:$0x0];
	s2 =	stileid.u32  }
0x4e: {  	s1 =	rddreg [dreg:$0x1];
	p0 =	sne.s32 s2, $0x0  }
0x4f: {  	s3 =	rddreg [dreg:$0x2];
	[bflag:$0x3] =	sbarrier.arrive $0xFFFF;
	s2 =	simm.s32 @!p0 $0x1C03  }
0x50: {  	[timem:s3], [sflag:s2] =	dma.local @!p0 [hbm:s0], s1  }
0x51: {  	s0 =	simm.s32 @!p0 $0x3  }
0x52: {  	_ =	swait.ge @!p0 [sflag:s0], s1  }
0x53: {  	s1 =	ssub.s32 @!p0 $0x0, s1;
	[sflag:s0] =	ssyncset.done @!p0 $0x0  }
0x54: {  	[sflag:s0] =	ssyncadd.s32 @!p0 s1  }
0x55: {  	[bflag:$0x3] =	sbarrier.arrive $0xFFFF  }
0x56: {  	_ =	shalt  }

</sc_bundles>
